<compile_context>
chip_gen: v7x
topology: tpu7x:2x2x1
jax: 0.10.2.dev20260603
libtpu: 0.0.44.dev20260713+nightly
codegen_flags: <defaults>
</compile_context>

<pallas_src>
import functools
import math

import jax
import jax.numpy as jnp
from jax import lax
from jax.experimental import pallas as pl
from jax.experimental.pallas import tpu as pltpu
from jax.experimental.pallas import tpu_sc as plsc

_LOG2E = math.log2(math.e)
_LN2 = math.log(2.0)


def _tc_body(t_ref, x_ref, out_ref, *, br, n):
    j = pl.program_id(0)
    x = x_ref[...]
    t = t_ref[...]
    a = lax.abs(x)
    e = jnp.exp2(a * (-_LOG2E))
    u = jnp.log2(1.0 + e)
    sp = jnp.maximum(x, 0.0) + _LN2 * u
    rowsum = jnp.sum(sp, axis=1, keepdims=True)
    good = t != 0
    psum = jnp.sum(jnp.where(good, rowsum, 0.0))
    pcnt = jnp.sum(jnp.where(good, 0.0, 1.0))

    @pl.when(j == 0)
    def _():
        out_ref[0, 0] = 0.0
        out_ref[0, 1] = 0.0

    out_ref[0, 0] += psum
    out_ref[0, 1] += pcnt


def _make_tc(m, n, br):
    return pl.pallas_call(
        functools.partial(_tc_body, br=br, n=n),
        grid=(m // br,),
        in_specs=[
            pl.BlockSpec((br, 1), lambda j: (j, 0)),
            pl.BlockSpec((br, n), lambda j: (j, 0)),
        ],
        out_specs=pl.BlockSpec(
            (1, 2), lambda j: (0, 0), memory_space=pltpu.SMEM
        ),
        out_shape=jax.ShapeDtypeStruct((1, 2), jnp.float32),
        compiler_params=pltpu.CompilerParams(
            dimension_semantics=("arbitrary",)
        ),
    )


def _make_sc_gather(m, n):
    mesh = plsc.VectorSubcoreMesh(core_axis_name="c", subcore_axis_name="s")
    nw = 32
    bpw = m // nw

    @functools.partial(
        pl.kernel,
        mesh=mesh,
        out_type=jax.ShapeDtypeStruct((nw, 16), jnp.float32),
        scratch_types=[
            pltpu.VMEM((bpw,), jnp.int32),
            pltpu.VMEM((bpw,), jnp.int32),
            pltpu.VMEM((bpw,), jnp.float32),
            pltpu.VMEM((16,), jnp.float32),
            pltpu.SemaphoreType.DMA,
        ],
    )
    def _g(x_hbm, t_hbm, out_hbm, t_v, idx_v, g_v, acc_v, sem):
        wid = lax.axis_index("s") * 2 + lax.axis_index("c")
        base = wid * bpw
        pltpu.sync_copy(t_hbm.at[pl.ds(base, bpw)], t_v)
        for k in range(bpw // 16):
            tv = t_v[pl.ds(k * 16, 16)]
            rows = (base + k * 16) + lax.broadcasted_iota(jnp.int32, (16,), 0)
            idx_v[pl.ds(k * 16, 16)] = rows * n + tv
        pltpu.async_copy(x_hbm.at[idx_v], g_v, sem).wait()
        acc = jnp.zeros((16,), jnp.float32)
        for k in range(bpw // 16):
            tv = t_v[pl.ds(k * 16, 16)]
            gv = g_v[pl.ds(k * 16, 16)]
            acc = acc + jnp.where(tv != 0, gv, 0.0)
        acc_v[...] = acc
        pltpu.sync_copy(acc_v, out_hbm.at[wid])

    return _g


def kernel(input, target):
    m, n = input.shape
    t32 = target.astype(jnp.int32)
    g_parts = _make_sc_gather(m, n)(input.reshape(m * n), t32)
    out = _make_tc(m, n, 32)(t32.reshape(m, 1), input)
    gsum = jnp.sum(g_parts)
    return (out[0, 0] - gsum) / jnp.maximum(out[0, 1], 1.0)

# --- scband reference (transcript-rebuilt; emitter-appended) ---
"""Pipeline reference for scband-bcewith-mask-logits-loss-28638841929978 (READ-ONLY COPY).

The authoritative reference and input builder live on the scoring server;
editing this copy changes nothing except your own understanding.
"""

import jax, jax.numpy as jnp
import numpy as np


def setup_inputs(seed: int = 0) -> dict:
    key = jax.random.key(seed)
    k1, k2 = jax.random.split(key)
    inp = jax.random.normal(k1, (1024, 100000), dtype=jnp.float32)
    target = jax.random.randint(k2, (1024,), 0, 100000, dtype=jnp.int64)
    return {"input": inp, "target": target}


def reference(input, target):
    ignore_index = 0
    loss_mask = target == ignore_index
    # scatter one-hot: zeros_like(input).scatter_(dim=-1, index=target.unsqueeze(-1), src=ones)
    rows = jnp.arange(input.shape[0])
    scattered_target = jnp.zeros_like(input).at[rows, target].set(1.0)
    # binary_cross_entropy_with_logits, reduction='none' (numerically stable form)
    losses = jnp.maximum(input, 0.0) - input * scattered_target + jnp.log1p(jnp.exp(-jnp.abs(input)))
    # masked_fill where target == ignore_index
    losses = jnp.where(loss_mask[:, None], 0.0, losses)
    # count = max(sum(loss_mask), 1)
    count = jnp.maximum(jnp.sum(loss_mask).astype(jnp.float32), 1.0)
    loss = jnp.sum(losses) / count
    return loss

if __name__ == "__main__":
    import jax
    _d = setup_inputs()
    print(jax.jit(kernel)(*tuple(_d.values())))

</pallas_src>

<mosaic_0001>
#map = affine_map<(d0, d1) -> (0)>
#map1 = affine_map<(d0, d1) -> (0, 0)>
module attributes {stable_mosaic.version = 14 : i64} {
  func.func @_g(%arg0: i32, %arg1: i32, %arg2: memref<102400000xf32, #tpu.memory_space<hbm>>, %arg3: memref<1024xi32, #tpu.memory_space<hbm>>, %arg4: memref<32x16xf32, #tpu.memory_space<hbm>>, %arg5: memref<32xi32, #tpu.memory_space<vmem>>, %arg6: memref<32xi32, #tpu.memory_space<vmem>>, %arg7: memref<32xf32, #tpu.memory_space<vmem>>, %arg8: memref<16xf32, #tpu.memory_space<vmem>>, %arg9: memref<!tpu.dma_semaphore, #tpu.memory_space<semaphore_mem>>) attributes {dimension_semantics = [#tpu.dimension_semantics<core_parallel>, #tpu.dimension_semantics<subcore_parallel>], iteration_bounds = array<i64: 2, 16>, scalar_prefetch = 0 : i64, scratch_operands = 5 : i64, tpu.core_type = #tpu.core_type<sc_vector_subcore>, window_params = [{transform_indices = #map}, {transform_indices = #map}, {transform_indices = #map1}]} {
    %mul3A = arith.constant 2 : i32
    %mul3A_0 = arith.muli %arg1, %mul3A : i32
    %add3A = arith.addi %mul3A_0, %arg0 : i32
    %mul3A_1 = arith.constant 32 : i32
    %mul3A_2 = arith.muli %add3A, %mul3A_1 : i32
    "tpu.region"() ({
      %run_scoped3A = tpu.sem_alloc : memref<!tpu.dma_semaphore, #tpu.memory_space<semaphore_mem>>
      %dma_start3A_62 = tpu.memref_slice %arg3[%mul3A_2] : memref<1024xi32, #tpu.memory_space<hbm>> -> memref<32xi32, #tpu.memory_space<hbm>>
      %dma_start3A_63 = tpu.memref_slice %arg3[%mul3A_2] : memref<1024xi32, #tpu.memory_space<hbm>> -> memref<32xi32, #tpu.memory_space<hbm>>
      tpu.enqueue_dma source(%dma_start3A_63 : memref<32xi32, #tpu.memory_space<hbm>>) target(%arg5 : memref<32xi32, #tpu.memory_space<vmem>>) target_semaphore(%run_scoped3A : memref<!tpu.dma_semaphore, #tpu.memory_space<semaphore_mem>>)
      %dma_wait3A_64 = tpu.memref_slice %arg3[%mul3A_2] : memref<1024xi32, #tpu.memory_space<hbm>> -> memref<32xi32, #tpu.memory_space<hbm>>
      %dma_wait3A_65 = tpu.memref_slice %arg3[%mul3A_2] : memref<1024xi32, #tpu.memory_space<hbm>> -> memref<32xi32, #tpu.memory_space<hbm>>
      tpu.wait_dma2 semaphore(%run_scoped3A : memref<!tpu.dma_semaphore, #tpu.memory_space<semaphore_mem>>) src(%dma_wait3A_65 : memref<32xi32, #tpu.memory_space<hbm>>) dst(%arg5 : memref<32xi32, #tpu.memory_space<vmem>>)
      tpu.yield
    }) : () -> ()
    %get3A = arith.constant 0 : index
    %get3A_3 = tpu.vector_load %arg5[%get3A] {strides = array<i32>} : memref<32xi32, #tpu.memory_space<vmem>>, vector<16xi32>,
    %get3A_4 = vector.shape_cast %get3A_3 : vector<16xi32> to vector<16xi32>
    %add3A_5 = arith.constant 0 : i32
    %add3A_6 = arith.addi %mul3A_2, %add3A_5 : i32
    %iota3A = tpu.iota {dimensions = array<i32: 0>} : vector<16xi32>
    %add3A_7 = vector.broadcast %add3A_6 : i32 to vector<16xi32>
    %add3A_8 = arith.addi %add3A_7, %iota3A : vector<16xi32>
    %mul3A_9 = arith.constant 100000 : i32
    %mul3A_10 = vector.broadcast %mul3A_9 : i32 to vector<16xi32>
    %mul3A_11 = arith.muli %add3A_8, %mul3A_10 : vector<16xi32>
    %add3A_12 = arith.addi %mul3A_11, %get3A_4 : vector<16xi32>
    %swap3A = arith.constant 0 : index
    %swap3A_13 = tpu.vector_load %arg6[%swap3A] {strides = array<i32>} : memref<32xi32, #tpu.memory_space<vmem>>, vector<16xi32>,
    %swap3A_14 = vector.shape_cast %swap3A_13 : vector<16xi32> to vector<16xi32>
    %swap3A_15 = vector.shape_cast %add3A_12 : vector<16xi32> to vector<16xi32>
    tpu.vector_store %arg6[%swap3A], %swap3A_15 {strides = array<i32>} : memref<32xi32, #tpu.memory_space<vmem>>, vector<16xi32>,
    %get3A_16 = arith.constant 16 : index
    %get3A_17 = tpu.vector_load %arg5[%get3A_16] {strides = array<i32>} : memref<32xi32, #tpu.memory_space<vmem>>, vector<16xi32>,
    %get3A_18 = vector.shape_cast %get3A_17 : vector<16xi32> to vector<16xi32>
    %add3A_19 = arith.constant 16 : i32
    %add3A_20 = arith.addi %mul3A_2, %add3A_19 : i32
    %iota3A_21 = tpu.iota {dimensions = array<i32: 0>} : vector<16xi32>
    %add3A_22 = vector.broadcast %add3A_20 : i32 to vector<16xi32>
    %add3A_23 = arith.addi %add3A_22, %iota3A_21 : vector<16xi32>
    %mul3A_24 = arith.constant 100000 : i32
    %mul3A_25 = vector.broadcast %mul3A_24 : i32 to vector<16xi32>
    %mul3A_26 = arith.muli %add3A_23, %mul3A_25 : vector<16xi32>
    %add3A_27 = arith.addi %mul3A_26, %get3A_18 : vector<16xi32>
    %swap3A_28 = arith.constant 16 : index
    %swap3A_29 = tpu.vector_load %arg6[%swap3A_28] {strides = array<i32>} : memref<32xi32, #tpu.memory_space<vmem>>, vector<16xi32>,
    %swap3A_30 = vector.shape_cast %swap3A_29 : vector<16xi32> to vector<16xi32>
    %swap3A_31 = vector.shape_cast %add3A_27 : vector<16xi32> to vector<16xi32>
    tpu.vector_store %arg6[%swap3A_28], %swap3A_31 {strides = array<i32>} : memref<32xi32, #tpu.memory_space<vmem>>, vector<16xi32>,
    %dma_start3A = arith.constant 0 : i32
    %dma_start3A_32 = tpu.memref_slice %arg2[%dma_start3A] : memref<102400000xf32, #tpu.memory_space<hbm>> -> memref<102400000xf32, #tpu.memory_space<hbm>>
    tpu.enqueue_indirect_dma source(%dma_start3A_32 : memref<102400000xf32, #tpu.memory_space<hbm>>) target(%arg7 : memref<32xf32, #tpu.memory_space<vmem>>) offsets(%arg6 : memref<32xi32, #tpu.memory_space<vmem>>) semaphore(%arg9 : memref<!tpu.dma_semaphore, #tpu.memory_space<semaphore_mem>>)
    %dma_wait3A = arith.constant 0 : i32
    %dma_wait3A_33 = tpu.memref_slice %arg2[%dma_wait3A] : memref<102400000xf32, #tpu.memory_space<hbm>> -> memref<102400000xf32, #tpu.memory_space<hbm>>
    tpu.wait_indirect_dma semaphore(%arg9 : memref<!tpu.dma_semaphore, #tpu.memory_space<semaphore_mem>>) src(%dma_wait3A_33 : memref<102400000xf32, #tpu.memory_space<hbm>>) dst(%arg7 : memref<32xf32, #tpu.memory_space<vmem>>)
    %broadcast_in_dim3A = arith.constant 0.000000e+00 : f32
    %broadcast_in_dim3A_34 = vector.broadcast %broadcast_in_dim3A : f32 to vector<16xf32>
    %get3A_35 = arith.constant 0 : index
    %get3A_36 = tpu.vector_load %arg5[%get3A_35] {strides = array<i32>} : memref<32xi32, #tpu.memory_space<vmem>>, vector<16xi32>,
    %get3A_37 = vector.shape_cast %get3A_36 : vector<16xi32> to vector<16xi32>
    %get3A_38 = arith.constant 0 : index
    %get3A_39 = tpu.vector_load %arg7[%get3A_38] {strides = array<i32>} : memref<32xf32, #tpu.memory_space<vmem>>, vector<16xf32>,
    %get3A_40 = vector.shape_cast %get3A_39 : vector<16xf32> to vector<16xf32>
    %ne3A = arith.constant 0 : i32
    %ne3A_41 = vector.broadcast %ne3A : i32 to vector<16xi32>
    %ne3A_42 = arith.cmpi ne, %get3A_37, %ne3A_41 : vector<16xi32>
    %jit3A = arith.constant 0.000000e+00 : f32
    %broadcast_in_dim3A_43 = vector.broadcast %jit3A : f32 to vector<16xf32>
    %select_n3A = arith.select %ne3A_42, %get3A_40, %broadcast_in_dim3A_43 : vector<16xi1>, vector<16xf32>
    %add3A_44 = arith.addf %broadcast_in_dim3A_34, %select_n3A : vector<16xf32>
    %get3A_45 = arith.constant 16 : index
    %get3A_46 = tpu.vector_load %arg5[%get3A_45] {strides = array<i32>} : memref<32xi32, #tpu.memory_space<vmem>>, vector<16xi32>,
    %get3A_47 = vector.shape_cast %get3A_46 : vector<16xi32> to vector<16xi32>
    %get3A_48 = arith.constant 16 : index
    %get3A_49 = tpu.vector_load %arg7[%get3A_48] {strides = array<i32>} : memref<32xf32, #tpu.memory_space<vmem>>, vector<16xf32>,
    %get3A_50 = vector.shape_cast %get3A_49 : vector<16xf32> to vector<16xf32>
    %ne3A_51 = arith.constant 0 : i32
    %ne3A_52 = vector.broadcast %ne3A_51 : i32 to vector<16xi32>
    %ne3A_53 = arith.cmpi ne, %get3A_47, %ne3A_52 : vector<16xi32>
    %jit3A_54 = arith.constant 0.000000e+00 : f32
    %broadcast_in_dim3A_55 = vector.broadcast %jit3A_54 : f32 to vector<16xf32>
    %select_n3A_56 = arith.select %ne3A_53, %get3A_50, %broadcast_in_dim3A_55 : vector<16xi1>, vector<16xf32>
    %add3A_57 = arith.addf %add3A_44, %select_n3A_56 : vector<16xf32>
    %swap3A_58 = arith.constant 0 : index
    %swap3A_59 = tpu.vector_load %arg8[%swap3A_58] {strides = array<i32>} : memref<16xf32, #tpu.memory_space<vmem>>, vector<16xf32>,
    %swap3A_60 = vector.shape_cast %swap3A_59 : vector<16xf32> to vector<16xf32>
    %swap3A_61 = vector.shape_cast %add3A_57 : vector<16xf32> to vector<16xf32>
    tpu.vector_store %arg8[%swap3A_58], %swap3A_61 {strides = array<i32>} : memref<16xf32, #tpu.memory_space<vmem>>, vector<16xf32>,
    "tpu.region"() ({
      %run_scoped3A = tpu.sem_alloc : memref<!tpu.dma_semaphore, #tpu.memory_space<semaphore_mem>>
      %dma_start3A_62 = arith.constant 0 : i32
      %dma_start3A_63 = tpu.memref_slice %arg4[%add3A, %dma_start3A_62] : memref<32x16xf32, #tpu.memory_space<hbm>> -> memref<1x16xf32, #tpu.memory_space<hbm>>
      %dma_start3A_64 = tpu.memref_squeeze %dma_start3A_63 : memref<1x16xf32, #tpu.memory_space<hbm>> -> memref<16xf32, #tpu.memory_space<hbm>>
      %dma_start3A_65 = arith.constant 0 : i32
      %dma_start3A_66 = tpu.memref_slice %arg4[%add3A, %dma_start3A_65] : memref<32x16xf32, #tpu.memory_space<hbm>> -> memref<1x16xf32, #tpu.memory_space<hbm>>
      %dma_start3A_67 = tpu.memref_squeeze %dma_start3A_66 : memref<1x16xf32, #tpu.memory_space<hbm>> -> memref<16xf32, #tpu.memory_space<hbm>>
      tpu.enqueue_dma source(%arg8 : memref<16xf32, #tpu.memory_space<vmem>>) target(%dma_start3A_67 : memref<16xf32, #tpu.memory_space<hbm>>) target_semaphore(%run_scoped3A : memref<!tpu.dma_semaphore, #tpu.memory_space<semaphore_mem>>)
      %dma_wait3A_68 = arith.constant 0 : i32
      %dma_wait3A_69 = tpu.memref_slice %arg4[%add3A, %dma_wait3A_68] : memref<32x16xf32, #tpu.memory_space<hbm>> -> memref<1x16xf32, #tpu.memory_space<hbm>>
      %dma_wait3A_70 = tpu.memref_squeeze %dma_wait3A_69 : memref<1x16xf32, #tpu.memory_space<hbm>> -> memref<16xf32, #tpu.memory_space<hbm>>
      %dma_wait3A_71 = arith.constant 0 : i32
      %dma_wait3A_72 = tpu.memref_slice %arg4[%add3A, %dma_wait3A_71] : memref<32x16xf32, #tpu.memory_space<hbm>> -> memref<1x16xf32, #tpu.memory_space<hbm>>
      %dma_wait3A_73 = tpu.memref_squeeze %dma_wait3A_72 : memref<1x16xf32, #tpu.memory_space<hbm>> -> memref<16xf32, #tpu.memory_space<hbm>>
      tpu.wait_dma2 semaphore(%run_scoped3A : memref<!tpu.dma_semaphore, #tpu.memory_space<semaphore_mem>>) src(%arg8 : memref<16xf32, #tpu.memory_space<vmem>>) dst(%dma_wait3A_73 : memref<16xf32, #tpu.memory_space<hbm>>)
      tpu.yield
    }) : () -> ()
    return
  }
}

module attributes {stable_mosaic.version = 14 : i64} {
  func.func @_tc_body(%arg0: i32, %arg1: memref<32x1xi32, #tpu.memory_space<vmem>>, %arg2: memref<32x100000xf32, #tpu.memory_space<vmem>>, %arg3: memref<1x2xf32, #tpu.memory_space<smem>>) attributes {dimension_semantics = [#tpu.dimension_semantics<arbitrary>], iteration_bounds = array<i64: 32>, scalar_prefetch = 0 : i64, scratch_operands = 0 : i64, tpu.core_type = #tpu.core_type<tc>, window_params = [{transform_indices = @transform_0, window_bounds = array<i64: 32, 1>}, {transform_indices = @transform_1, window_bounds = array<i64: 32, 100000>}, {transform_indices = @transform_2, window_bounds = array<i64: 1, 2>}]} {
    %get3A = arith.constant 0 : index
    %get3A_0 = arith.constant 0 : index
    %get3A_1 = vector.load %arg2[%get3A, %get3A_0] : memref<32x100000xf32, #tpu.memory_space<vmem>>, vector<32x100000xf32>
    %get3A_2 = arith.constant 0 : index
    %get3A_3 = arith.constant 0 : index
    %get3A_4 = vector.load %arg1[%get3A_2, %get3A_3] : memref<32x1xi32, #tpu.memory_space<vmem>>, vector<32x1xi32>
    %abs3A = math.absf %get3A_1 : vector<32x100000xf32>
    %mul3A = arith.constant -1.44269502 : f32
    %mul3A_5 = vector.broadcast %mul3A : f32 to vector<32x100000xf32>
    %mul3A_6 = arith.mulf %abs3A, %mul3A_5 : vector<32x100000xf32>
    %exp23A = math.exp2 %mul3A_6 : vector<32x100000xf32>
    %add3A = arith.constant 1.000000e+00 : f32
    %add3A_7 = vector.broadcast %add3A : f32 to vector<32x100000xf32>
    %add3A_8 = arith.addf %add3A_7, %exp23A : vector<32x100000xf32>
    %log3A = math.log %add3A_8 : vector<32x100000xf32>
    %log3A_9 = arith.constant 2.000000e+00 : f32
    %log3A_10 = math.log %log3A_9 : f32
    %div3A = vector.broadcast %log3A_10 : f32 to vector<32x100000xf32>
    %div3A_11 = arith.divf %log3A, %div3A : vector<32x100000xf32>
    %max3A = arith.constant 0.000000e+00 : f32
    %max3A_12 = vector.broadcast %max3A : f32 to vector<32x100000xf32>
    %max3A_13 = arith.maximumf %get3A_1, %max3A_12 : vector<32x100000xf32>
    %mul3A_14 = arith.constant 0.693147182 : f32
    %mul3A_15 = vector.broadcast %mul3A_14 : f32 to vector<32x100000xf32>
    %mul3A_16 = arith.mulf %mul3A_15, %div3A_11 : vector<32x100000xf32>
    %add3A_17 = arith.addf %max3A_13, %mul3A_16 : vector<32x100000xf32>
    %reduce_sum3A = arith.constant dense<0.000000e+00> : vector<32xf32>
    %reduce_sum3A_18 = vector.multi_reduction <add>, %add3A_17, %reduce_sum3A [1] : vector<32x100000xf32> to vector<32xf32>
    %broadcast_in_dim3A = vector.shape_cast %reduce_sum3A_18 : vector<32xf32> to vector<32x1xf32>
    %ne3A = arith.constant 0 : i32
    %ne3A_19 = vector.broadcast %ne3A : i32 to vector<32x1xi32>
    %ne3A_20 = arith.cmpi ne, %get3A_4, %ne3A_19 : vector<32x1xi32>
    %jit3A = arith.constant 0.000000e+00 : f32
    %broadcast_in_dim3A_21 = vector.broadcast %jit3A : f32 to vector<32x1xf32>
    %select_n3A = arith.select %ne3A_20, %broadcast_in_dim3A, %broadcast_in_dim3A_21 : vector<32x1xi1>, vector<32x1xf32>
    %reduce_sum3A_22 = vector.shape_cast %select_n3A : vector<32x1xf32> to vector<1x32x1xf32>
    %reduce_sum3A_23 = arith.constant dense<0.000000e+00> : vector<1xf32>
    %reduce_sum3A_24 = vector.multi_reduction <add>, %reduce_sum3A_22, %reduce_sum3A_23 [1, 2] : vector<1x32x1xf32> to vector<1xf32>
    %reduce_sum3A_25 = vector.shape_cast %reduce_sum3A_24 : vector<1xf32> to vector<1x1x1xf32>
    %reduce_sum3A_26 = vector.extract %reduce_sum3A_25[0, 0, 0] : f32 from vector<1x1x1xf32>
    %jit3A_27 = arith.constant 0.000000e+00 : f32
    %jit3A_28 = arith.constant 1.000000e+00 : f32
    %broadcast_in_dim3A_29 = vector.broadcast %jit3A_27 : f32 to vector<32x1xf32>
    %broadcast_in_dim3A_30 = vector.broadcast %jit3A_28 : f32 to vector<32x1xf32>
    %select_n3A_31 = arith.select %ne3A_20, %broadcast_in_dim3A_29, %broadcast_in_dim3A_30 : vector<32x1xi1>, vector<32x1xf32>
    %reduce_sum3A_32 = vector.shape_cast %select_n3A_31 : vector<32x1xf32> to vector<1x32x1xf32>
    %reduce_sum3A_33 = arith.constant dense<0.000000e+00> : vector<1xf32>
    %reduce_sum3A_34 = vector.multi_reduction <add>, %reduce_sum3A_32, %reduce_sum3A_33 [1, 2] : vector<1x32x1xf32> to vector<1xf32>
    %reduce_sum3A_35 = vector.shape_cast %reduce_sum3A_34 : vector<1xf32> to vector<1x1x1xf32>
    %reduce_sum3A_36 = vector.extract %reduce_sum3A_35[0, 0, 0] : f32 from vector<1x1x1xf32>
    %eq3A = arith.constant 0 : i32
    %eq3A_37 = arith.cmpi eq, %arg0, %eq3A : i32
    %convert_element_type3A = arith.extui %eq3A_37 : i1 to i32
    %cond3A = arith.constant 0 : i32
    %cond3A_38 = arith.cmpi ne, %convert_element_type3A, %cond3A : i32
    scf.if %cond3A_38 {
      %swap3A_52 = arith.constant 0.000000e+00 : f32
      %swap3A_53 = arith.constant 0 : index
      %swap3A_54 = arith.constant 0 : index
      %swap3A_55 = memref.load %arg3[%swap3A_53, %swap3A_54] : memref<1x2xf32, #tpu.memory_space<smem>>
      memref.store %swap3A_52, %arg3[%swap3A_53, %swap3A_54] : memref<1x2xf32, #tpu.memory_space<smem>>
      %swap3A_56 = arith.constant 0.000000e+00 : f32
      %swap3A_57 = arith.constant 0 : index
      %swap3A_58 = arith.constant 1 : index
      %swap3A_59 = memref.load %arg3[%swap3A_57, %swap3A_58] : memref<1x2xf32, #tpu.memory_space<smem>>
      memref.store %swap3A_56, %arg3[%swap3A_57, %swap3A_58] : memref<1x2xf32, #tpu.memory_space<smem>>
    } else {
    }
    %get3A_39 = arith.constant 0 : index
    %get3A_40 = arith.constant 0 : index
    %get3A_41 = memref.load %arg3[%get3A_39, %get3A_40] : memref<1x2xf32, #tpu.memory_space<smem>>
    %add3A_42 = arith.addf %get3A_41, %reduce_sum3A_26 : f32
    %swap3A = arith.constant 0 : index
    %swap3A_43 = arith.constant 0 : index
    %swap3A_44 = memref.load %arg3[%swap3A, %swap3A_43] : memref<1x2xf32, #tpu.memory_space<smem>>
    memref.store %add3A_42, %arg3[%swap3A, %swap3A_43] : memref<1x2xf32, #tpu.memory_space<smem>>
    %get3A_45 = arith.constant 0 : index
    %get3A_46 = arith.constant 1 : index
    %get3A_47 = memref.load %arg3[%get3A_45, %get3A_46] : memref<1x2xf32, #tpu.memory_space<smem>>
    %add3A_48 = arith.addf %get3A_47, %reduce_sum3A_36 : f32
    %swap3A_49 = arith.constant 0 : index
    %swap3A_50 = arith.constant 1 : index
    %swap3A_51 = memref.load %arg3[%swap3A_49, %swap3A_50] : memref<1x2xf32, #tpu.memory_space<smem>>
    memref.store %add3A_48, %arg3[%swap3A_49, %swap3A_50] : memref<1x2xf32, #tpu.memory_space<smem>>
    return
  }
  func.func @transform_0(%arg0: i32) -> (i32, i32) {
    %c0_i32 = arith.constant 0 : i32
    %c0_i32_0 = arith.constant 0 : i32
    return %arg0, %c0_i32 : i32, i32
  }
  func.func @transform_1(%arg0: i32) -> (i32, i32) {
    %c0_i32 = arith.constant 0 : i32
    %c0_i32_0 = arith.constant 0 : i32
    return %arg0, %c0_i32 : i32, i32
  }
  func.func @transform_2(%arg0: i32) -> (i32, i32) {
    %c0_i32 = arith.constant 0 : i32
    %c0_i32_0 = arith.constant 0 : i32
    %c0_i32_1 = arith.constant 0 : i32
    return %c0_i32, %c0_i32_0 : i32, i32
  }
}

</mosaic_0001>

<sc_bundles>
// kernel: kernel.4.cloned.1.call-start
scs
__scs_entry_jumppad:
0x0: {  	(pc) =	sbr.rel $0x88, $3  }
0x1: {  	(tag) =	ssettag $0x0;
	lr =	simm.s32 $0x1  }
0x2: {  	[smem:$0x3F9F] =	sst lr;
	_ =	strace $0xD0000000  }
0x3: {  	_ = 	snop  }
0x4: {  	_ = 	snop  }
0x5: {  	_ = 	snop  }
0x6: {  	_ = 	snop  }
0x7: {  	_ = 	snop  }
__scs_overlays_trampoline_lowered:
0x8: {  	[smem:$0x3FAE] =	sst s0  }
0x9: {  	[smem:$0x3FAF] =	sst s1  }
0xa: {  	[smem:$0x3FB0] =	sst s2  }
0xb: {  	[smem:$0x3FB1] =	sst s3  }
0xc: {  	[smem:$0x3FB2] =	sst s4  }
0xd: {  	[smem:$0x3FB3] =	sst s5  }
0xe: {  	[smem:$0x3FB4] =	sst s6  }
0xf: {  	[smem:$0x3FB5] =	sst s7  }
0x10: {  	[smem:$0x3FB6] =	sst s8  }
0x11: {  	[smem:$0x3FB7] =	sst s9;
	s0 =	simm.s32 @!p0 $0x0  }
0x12: {  	s1 =	sld [smem:$0x3F9D];
	s0 =	simm.s32 @p0 $0x1  }
0x13: {  	[smem:$0x3FB8] =	sst s0;
	s0 =	simm.s32 @!p1 $0x0  }
0x14: {  	s2 =	sld [smem:$0x3F9C];
	s0 =	simm.s32 @p1 $0x1  }
0x15: {  	[smem:$0x3FB9] =	sst s0;
	s0 =	simm.s32 @!p2 $0x0  }
0x16: {  	s3 =	sld [smem:$0x3FDB];
	s0 =	simm.s32 @p2 $0x1  }
0x17: {  	s4 =	simm.s32 $0x1BF5;
	[smem:$0x3FBB] =	sst s0  }
0x18: {  	s0 =	sld [smem:$0x3F9E];
	_ =	swait.ge [sflag:s4], $0x0  }
0x19: {  	s7 =	sld [smem:$0x3F9F]  }
0x1a: {  	s8 =	sadd.s32 $0xFFFFE003, lr  }
0x1b: {  	s9 =	sadd.s32 $0xFFFFFEF7, lr;
	s5 =	simm.s32 $0xFFFFFFFF;
	p2 =	slt.u32 s8, $0xFFFFF086  }
0x1c: {  	p1 =	slt.u32 s9, $0xF7A;
	s5 =	simm.s32 @!p2 $0x0  }
0x1d: {  	s5 =	simm.s32 @p1 $0x1;
	p0 =	seq.s32 s7, s2  }
0x1e: {  	s7 =	smul.u32 @!p0 $0xF7A, s2;
	p2 =	seq.s32 @!p0 s5, $0x0  }
0x1f: {  	s9 =	smul.u32 $0xF7A, s1;
	s8 =	simm.s32 @!p0 $0x1BF5;
	p2 =	por !p2, p0  }
0x20: {  	[sflag:s8] =	ssyncset.s32 @!p0 $0xFFFFF086;
	s6 =	sadd.s32 @!p0 s3, s7;
	s7 =	simm.s32 @!p0 $0x108  }
0x21: {  	s3 =	sadd.s32 s3, s9;
	s6 =	sadd.s32 @!p0 $0x88, s6;
	s7 =	simm.s32 @p2 $0x1082  }
0x22: {  	[simem:s7], [sflag:s8] =	dma.local @!p0 [hbm:s6], $0xF7A  }
0x23: {  	s9 =	sor.u32 $0xD0000000, s2;
	s6 =	simm.s32 $0x108;
	_ =	swait.ge @!p0 [sflag:s8], $0x0  }
0x24: {  	s3 =	sadd.s32 $0x88, s3;
	s6 =	simm.s32 @!p1 $0x1082;
	[sflag:s4] =	ssyncset.s32 $0xFFFFF086  }
0x25: {  	[simem:s6], [sflag:s4] =	dma.local [hbm:s3], $0xF7A  }
0x26: {  	[smem:$0x3F9F] =	sst s1;
	(tag) =	ssettag s2;
	_ =	strace s9  }
0x27: {  	s1 =	sld [smem:$0x3FAF]  }
0x28: {  	s2 =	sld [smem:$0x3FB0]  }
0x29: {  	s4 =	sld [smem:$0x3FB2]  }
0x2a: {  	p0 =	seq.s32 s5, $0x0;
	s5 =	sld [smem:$0x3FB3]  }
0x2b: {  	s6 =	sld [smem:$0x3FB4]  }
0x2c: {  	s7 =	sld [smem:$0x3FB5]  }
0x2d: {  	s3 =	simm.s32 $0x108;
	s8 =	sld [smem:$0x3FB6]  }
0x2e: {  	s3 =	simm.s32 @!p0 $0x1082;
	s9 =	sld [smem:$0x3FB7]  }
0x2f: {  	lr =	sadd.s32 s0, s3;
	s0 =	sld [smem:$0x3FAE]  }
0x30: {  	s3 =	sld [smem:$0x3FB1]  }
0x31: {  	[smem:$0x3FBA] =	sst s10  }
0x32: {  	s10 =	sld [smem:$0x3FB8];
	_ =	sdelay $0x3  }
0x33: {  	p0 =	seq.s32 s10, $0x1;
	s10 =	sld [smem:$0x3FBA];
	_ =	sdelay $0x3  }
0x34: {  	[smem:$0x3FBA] =	sst s10  }
0x35: {  	s10 =	sld [smem:$0x3FB9];
	_ =	sdelay $0x3  }
0x36: {  	p1 =	seq.s32 s10, $0x1;
	s10 =	sld [smem:$0x3FBA];
	_ =	sdelay $0x3  }
0x37: {  	[smem:$0x3FBA] =	sst s10  }
0x38: {  	s10 =	sld [smem:$0x3FBB]  }
0x39: {  	_ = 	snop;
	(pc) =	sbr.ind lr, $3  }
0x3a: {  	_ = 	snop  }
0x3b: {  	_ = 	snop  }
0x3c: {  	p2 =	seq.s32 s10, $0x1;
	s10 =	sld [smem:$0x3FBA]  }
0x3d: {  	_ =	shalt  }
0x3e: {  	_ =	shalt  }
0x3f: {  	_ =	shalt  }
0x40: {  	_ =	shalt  }
0x41: {  	_ =	shalt  }
0x42: {  	_ =	shalt  }
0x43: {  	_ =	shalt  }
0x44: {  	_ =	shalt  }
0x45: {  	_ =	shalt  }
0x46: {  	_ =	shalt  }
0x47: {  	_ =	shalt  }
0x48: {  	_ =	shalt  }
0x49: {  	_ =	shalt  }
0x4a: {  	_ =	shalt  }
0x4b: {  	_ =	shalt  }
0x4c: {  	_ =	shalt  }
0x4d: {  	_ =	shalt  }
0x4e: {  	_ =	shalt  }
0x4f: {  	_ =	shalt  }
0x50: {  	_ =	shalt  }
0x51: {  	_ =	shalt  }
0x52: {  	_ =	shalt  }
0x53: {  	_ =	shalt  }
0x54: {  	_ =	shalt  }
0x55: {  	_ =	shalt  }
0x56: {  	_ =	shalt  }
0x57: {  	_ =	shalt  }
0x58: {  	_ =	shalt  }
0x59: {  	_ =	shalt  }
0x5a: {  	_ =	shalt  }
0x5b: {  	_ =	shalt  }
0x5c: {  	_ =	shalt  }
0x5d: {  	_ =	shalt  }
0x5e: {  	_ =	shalt  }
0x5f: {  	_ =	shalt  }
0x60: {  	_ =	shalt  }
0x61: {  	_ =	shalt  }
0x62: {  	_ =	shalt  }
0x63: {  	_ =	shalt  }
0x64: {  	_ =	shalt  }
0x65: {  	_ =	shalt  }
0x66: {  	_ =	shalt  }
0x67: {  	_ =	shalt  }
0x68: {  	_ =	shalt  }
0x69: {  	_ =	shalt  }
0x6a: {  	_ =	shalt  }
0x6b: {  	_ =	shalt  }
0x6c: {  	_ =	shalt  }
0x6d: {  	_ =	shalt  }
0x6e: {  	_ =	shalt  }
0x6f: {  	_ =	shalt  }
0x70: {  	_ =	shalt  }
0x71: {  	_ =	shalt  }
0x72: {  	_ =	shalt  }
0x73: {  	_ =	shalt  }
0x74: {  	_ =	shalt  }
0x75: {  	_ =	shalt  }
0x76: {  	_ =	shalt  }
0x77: {  	_ =	shalt  }
0x78: {  	_ =	shalt  }
0x79: {  	_ =	shalt  }
0x7a: {  	_ =	shalt  }
0x7b: {  	_ =	shalt  }
0x7c: {  	_ =	shalt  }
0x7d: {  	_ =	shalt  }
0x7e: {  	_ =	shalt  }
0x7f: {  	_ =	shalt  }
0x80: {  	_ =	shalt  }
0x81: {  	_ =	shalt  }
0x82: {  	_ =	shalt  }
0x83: {  	_ =	shalt  }
0x84: {  	_ =	shalt  }
0x85: {  	_ =	shalt  }
0x86: {  	_ =	shalt  }
0x87: {  	_ =	shalt  }
.Lfunc_end0:
.L_simem_size_0:
called_computation_lowered:
.L_overlay_start_0:
0x88: {  	s2 =	sld [smem:$0x3FD9]  }
0x89: {  	s3 =	sld [smem:$0x3FFE];
	_ =	sdelay $0x1  }
0x8a: {  	s1 =	srdreg.scid  }
0x8b: {  	s0 =	sand.u32 $0x1, s1  }
0x8c: {  	s17 =	sshll.u32 s0, $0xA;
	s2 =	sadd.s32 s3, s2  }
0x8d: {  	s2 =	sadd.s32 s2, s17  }
0x8e: {  	[smem:$0x3FC6] =	sst s2  }
0x8f: {  	_ = 	snop  }
0x90: {  	s2 =	sld [smem:$0x3FC8];
	(tm) =	ssettm $0x1  }
0x91: {  	s18 =	sld [smem:$0x3FFB];
	_ =	sdelay $0x3  }
0x92: {  	_ =	strace s18  }
0x93: {  	s3 =	sld [smem:$0x3FFC];
	_ =	sdelay $0x3  }
0x94: {  	_ =	strace s3  }
0x95: {  	s3 =	sld [smem:$0x3FFD];
	_ =	sdelay $0x3  }
0x96: {  	_ =	strace s3  }
0x97: {  	_ =	strace $0x8FFFFFFF  }
0x98: {  	s19 =	sld [smem:$0x3FDB];
	_ =	sdelay $0x1  }
0x99: {  	s4 =	simm.s32 $_scs_section_size  }
0x9a: {  	s5 =	simm.s32 $_size__tile_overlayer_lowered;
	s6 =	simm.s32 $_tile_overlayer_lowered  }
0x9b: {  	s22 =	simm.s32 $0x1BFF;
	s21 =	sshll.u32 s6, $0x1;
	s3 =	sadd.s32 s4, s19  }
0x9c: {  	s7 =	simm.s32 $0x0;
	s20 =	sshll.u32 s5, $0x1;
	s5 =	sadd.s32 s21, s3  }
0x9d: {  	[timem:s7], [sflag:s22] =	dma.local [hbm:s5], s20  }
0x9e: {  	_ =	swait.ge [sflag:s22], s20  }
0x9f: {  	s4 =	ssub.s32 $0x0, s20;
	[sflag:s22] =	ssyncset.done $0x0  }
0xa0: {  	[sflag:s22] =	ssyncadd.s32 s4;
	_ =	sdelay $0x1  }
0xa1: {  	s23 =	simm.s32 $0x1B8B  }
0xa2: {  	_ =	swait.ge [sflag:s23], $0x1  }
0xa3: {  	[sflag:s23] =	ssyncset.done $0x0  }
0xa4: {  	s25 =	simm.s32 $0x1B8E;
	s24 =	sld [smem:$0x3FFE];
	[sflag:s23] =	ssyncadd.s32 $0xFFFFFFFF  }
0xa5: {  	s26 =	simm.s32 $execute0_lowered;
	[smem:$0x3FD2] =	sst s25  }
0xa6: {  	s5 =	sshll.u32 s26, $0x1;
	_ =	strace $0x80000046;
	[dreg:$0x1] =	wrdreg $0xFFFFFFFF  }
0xa7: {  	s28 =	simm.s32 $_size_execute0_lowered;
	s3 =	sadd.s32 s3, s5;
	[dreg:$0x0] =	wrdreg $0x0  }
0xa8: {  	s5 =	sshll.u32 s28, $0x1;
	[dreg:$0x2] =	wrdreg s3  }
0xa9: {  	[dreg:$0x3] =	wrdreg s5  }
0xaa: {  	[dreg:$0x4] =	wrdreg $0xC0  }
0xab: {  	_ =	task [dreg:s7], $0x5FFFF  }
0xac: {  	[dreg:$0x1] =	wrdreg $0xFFFFFFFF  }
0xad: {  	[dreg:$0x0] =	wrdreg $0x60  }
0xae: {  	[dreg:$0x2] =	wrdreg s24  }
0xaf: {  	[dreg:$0x3] =	wrdreg s2  }
0xb0: {  	[dreg:$0x4] =	wrdreg $0x9  }
0xb1: {  	_ =	task.clear_ibuf [dreg:s7], $0x5FFFF;
	_ =	strace $0x90000046  }
0xb2: {  	s29 =	simm.s32 $0x9;
	_ =	strace $0x80000048  }
0xb3: {  	_ =	swait.ge [sflag:s29], $0x1  }
0xb4: {  	[sflag:s29] =	ssyncadd.s32 $0xFFFFFFFF  }
0xb5: {  	_ =	strace $0x90000048  }
0xb6: {  	_ =	sfence  }
0xb7: {  	s30 =	sld [smem:$0x0];
	_ =	sdelay $0x2  }
0xb8: {  	s31 =	sshll.u32 s1, $0xD;
	s1 =	sshrl.u32 s1, $0x2  }
0xb9: {  	s3 =	sand.u32 $0x4000, s31;
	s1 =	sadd.s32 s1, s30  }
0xba: {  	s0 =	sor.u32 s3, s0;
	s1 =	sshll.u32 s1, $0x11  }
0xbb: {  	s0 =	sor.u32 s1, s0  }
0xbc: {  	s0 =	sadd.s32 $0x8F2B, s0  }
0xbd: {  	[sflag:s0] =	ssyncadd.remote.s32 $0x1  }
0xbe: {  	_ =	sfence.sel $0xFFFF  }
0xbf: {  	[dreg:$0x0] =	wrdreg $0xFFFFFFFF;
	(pc) =	sbr.abs _section_cstart, $3  }
0xc0: {  	[dreg:$0x1] =	wrdreg $0xFFFFFFFF  }
0xc1: {  	_ =	task.clear_ibuf [dreg:s7], $0x2FFFF;
	_ =	strace $0x9FFFFFFF  }
0xc2: {  	(tm) =	ssettm $0x7FFFFFFF  }
0xc3: {  	_ =	shalt  }
tec
execute0_lowered:
.L_overlay_start_1:
0x0: {  	(tag) =	ssettag $0x1  }
0x1: {  	s10 =	rddreg [dreg:$0x0]  }
0x2: {  	s1 =	srdreg.scid;
	s0 =	stileid.u32  }
0x3: {  	s3 =	rddreg [dreg:$0x1];
	s11 =	sand.u32 $0x1, s1;
	s4 =	sshll.u32 s0, $0x1  }
0x4: {  	s2 =	simm.s32 $0x0;
	s1 =	rddreg [dreg:$0x2];
	s12 =	sor.u32 s11, s4  }
0x5: {  	[smem:$0x7FF] =	sst s2;
	s4 =	sshll.u32 s12, $0x2  }
0x6: {  	_ =	strace $0x80000047;
	s4 =	sadd.s32 s3, s4;
	s3 =	simm.s32 $0x2  }
0x7: {  	[tilespmem:s2], [sflag:$0x2] =	stream.linear.gather [hbm4b:s4+s2], $0x20, $0x38;
	[tilespmem:$0x200] =	vst v63  }
0x8: {  	_ =	swait.ge [sflag:s3], $0x20  }
0x9: {  	s5 =	sshll.u32 s12, $0x5;
	[sflag:s3] =	ssyncset.done $0x0  }
0xa: {  	v0 =	vmov s5;
	s5 =	sor.u32 $0x10, s5;
	[sflag:s3] =	ssyncadd.s32 $0xFFFFFFE0  }
0xb: {  	v0 =	vmul.u32 $0x186A0, v0;
	v1 =	vmov s5;
	v2 =	vld [tilespmem:$0x0]  }
0xc: {  	v3 =	vlaneseq.u32;
	v1 =	vmul.u32 $0x186A0, v1;
	v4 =	vld [tilespmem:$0x10]  }
0xd: {  	v3 =	vmul.u32 $0x186A0, v3;
	v0 =	vbroadcast v0, $0x0  }
0xe: {  	v1 =	vbroadcast v1, $0x0  }
0xf: {  	v0 =	vadd.s32 v3, v0  }
0x10: {  	v1 =	vadd.s32 v3, v1;
	v2 =	vadd.s32 v2, v0  }
0x11: {  	s6 =	simm.s32 $0x20;
	s7 =	simm.s32 $0x80;
	[tilespmem:$0x80] =	vst v2;
	v2 =	vadd.s32 v4, v1  }
0x12: {  	s8 =	simm.s32 $0x100;
	s9 =	simm.s32 $0x1;
	s5 =	sadd.s32 $0xC38400, s10;
	[tilespmem:$0x90] =	vst v2  }
0x13: {  	[tilespmem:s8], [sflag:$0x1] =	stream.indirect.gather [hbm4b:s5+s6], $0x1, s7, s6, $0xb8;
	[tilespmem:$0x200] =	vst v63  }
0x14: {  	_ =	swait.ge [sflag:s9], $0x20  }
0x15: {  	[sflag:s9] =	ssyncset.done $0x0  }
0x16: {  	[sflag:s9] =	ssyncadd.s32 $0xFFFFFFE0  }
0x17: {  	v2 =	vld [tilespmem:$0x0]  }
0x18: {  	v3 =	vld [tilespmem:$0x100]  }
0x19: {  	s11 =	ssub.s32 $0x2, s11;
	v63 =	vld [tilespmem:$0x10]  }
0x1a: {  	s13 =	sshrl.u32 s11, $0x1;
	v5 =	vld [tilespmem:$0x110]  }
0x1b: {  	s11 =	ssub.s32 s11, s13  }
0x1c: {  	s13 =	smax.u32 s11, $0x1  }
0x1d: {  	p0 =	sne.s32 s13, $0x1;
	v3 =	vadd.f32 $0.0e+00, v3  }
.Ltmp0:
0x1e: {  	vm0 =	veq.s32 v63, $0x0;
	vm1 =	veq.s32 v2, $0x0;
	(pc) =	sbr.rel @!p0 .LBB2_2-.Ltmp0, $4  }
0x1f: {  	v2 =	vsel vm0, $0x0, v5;
	v3 =	vsel vm1, $0x0, v3  }
0x20: {  	s12 =	sshll.u32 s12, $0x4;
	v2 =	vadd.f32 v2, v3  }
0x21: {  	s10 =	sadd.s32 s12, s10  }
0x22: {  	s11 =	simm.s32 $0x180;
	s10 =	sadd.s32 $0x186D400, s10;
	s12 =	sadd.s32 $0xFFFFFFFF, s13;
	[tilespmem:$0x180] =	vst v2  }
.LBB2_1:
0x23: {  	[hbm4b:s10+s2] =	stream.linear.scatter [tilespmem:s11], [sflag:$0x2], $0x80, $0x38;
	[tilespmem:$0x200] =	vst v63  }
0x24: {  	p0 =	sne.s32 s12, $0x1;
	s12 =	sadd.s32 $0xFFFFFFFF, s12;
	_ =	swait.ge [sflag:s3], $0x80  }
0x25: {  	[sflag:s3] =	ssyncset.done $0x0  }
0x26: {  	[sflag:s3] =	ssyncadd.s32 $0xFFFFFF80  }
0x27: {  	[tilespmem:s2], [sflag:$0x2] =	stream.linear.gather [hbm4b:s4+s2], $0x20, $0x38;
	[tilespmem:$0x200] =	vst v63  }
0x28: {  	_ =	swait.ge [sflag:s3], $0x20  }
0x29: {  	[sflag:s3] =	ssyncset.done $0x0  }
0x2a: {  	[sflag:s3] =	ssyncadd.s32 $0xFFFFFFE0  }
0x2b: {  	v2 =	vld [tilespmem:$0x0]  }
0x2c: {  	v3 =	vld [tilespmem:$0x10];
	_ =	sdelay $0x3  }
0x2d: {  	v2 =	vadd.s32 v2, v0  }
0x2e: {  	[tilespmem:$0x80] =	vst v2;
	v2 =	vadd.s32 v3, v1  }
0x2f: {  	[tilespmem:$0x90] =	vst v2  }
0x30: {  	[tilespmem:s8], [sflag:$0x1] =	stream.indirect.gather [hbm4b:s5+s6], $0x1, s7, s6, $0xb8;
	[tilespmem:$0x200] =	vst v63  }
0x31: {  	_ =	swait.ge [sflag:s9], $0x20  }
0x32: {  	[sflag:s9] =	ssyncset.done $0x0  }
0x33: {  	[sflag:s9] =	ssyncadd.s32 $0xFFFFFFE0  }
0x34: {  	v2 =	vld [tilespmem:$0x0]  }
0x35: {  	v3 =	vld [tilespmem:$0x10]  }
0x36: {  	v4 =	vld [tilespmem:$0x100]  }
0x37: {  	v5 =	vld [tilespmem:$0x110];
	_ =	sdelay $0x2  }
0x38: {  	vm0 =	veq.s32 v3, $0x0  }
0x39: {  	vm1 =	veq.s32 v2, $0x0;
	v2 =	vadd.f32 $0.0e+00, v4  }
.Ltmp1:
0x3a: {  	v3 =	vsel vm0, $0x0, v5;
	(pc) =	sbr.rel @p0 .LBB2_1-.Ltmp1, $3  }
0x3b: {  	v2 =	vsel vm1, $0x0, v2  }
0x3c: {  	v2 =	vadd.f32 v3, v2;
	_ =	sdelay $0x1  }
0x3d: {  	[tilespmem:$0x180] =	vst v2  }
.LBB2_2:
0x3e: {  	[hbm4b:s10+s2] =	stream.linear.scatter [tilespmem:s11], [sflag:$0x2], $0x80, $0x38;
	[tilespmem:$0x200] =	vst v63  }
0x3f: {  	_ =	swait.ge [sflag:s3], $0x80  }
0x40: {  	[sflag:s3] =	ssyncset.done $0x0  }
0x41: {  	[sflag:s3] =	ssyncadd.s32 $0xFFFFFF80  }
0x42: {  	_ =	sfence.sel $0x180000  }
0x43: {  	[bflag:$0x0] =	sbarrier.arrive $0xFFFF  }
0x44: {  	p0 =	sne.s32 s0, $0x0;
	_ =	strace $0x90000047  }
0x45: {  	s0 =	sadd.s32 @!p0 $0x100000, s1;
	[bflag:$0x2] =	sbarrier.arrive $0xFFFF  }
0x46: {  	[sflag:s0] =	ssyncadd.tile.s32 @!p0 $0x1;
	_ =	shalt  }
.Lfunc_end2:
_tile_overlayer_lowered:
.L_overlay_start_2:
0x47: {  	(tag) =	ssettag $0x2  }
0x48: {  	s0 =	rddreg [dreg:$0x0];
	s2 =	stileid.u32  }
0x49: {  	s1 =	rddreg [dreg:$0x1];
	p0 =	sne.s32 s2, $0x0  }
0x4a: {  	s3 =	rddreg [dreg:$0x2];
	[bflag:$0x3] =	sbarrier.arrive $0xFFFF;
	s2 =	simm.s32 @!p0 $0x1C02  }
0x4b: {  	[timem:s3], [sflag:s2] =	dma.local @!p0 [hbm:s0], s1  }
0x4c: {  	s0 =	simm.s32 @!p0 $0x2  }
0x4d: {  	_ =	swait.ge @!p0 [sflag:s0], s1  }
0x4e: {  	s1 =	ssub.s32 @!p0 $0x0, s1;
	[sflag:s0] =	ssyncset.done @!p0 $0x0  }
0x4f: {  	[sflag:s0] =	ssyncadd.s32 @!p0 s1  }
0x50: {  	[bflag:$0x3] =	sbarrier.arrive $0xFFFF  }
0x51: {  	_ =	shalt  }

</sc_bundles>
